<compile_context>
chip_gen: v7x
topology: tpu7x:2x2x1
jax: 0.10.2.dev20260603
libtpu: 0.0.44.dev20260713+nightly
codegen_flags: <defaults>
</compile_context>

<pallas_src>
import functools

import jax
import jax.numpy as jnp
from jax import lax
from jax.experimental import pallas as pl
from jax.experimental.pallas import tpu as pltpu
from jax.experimental.pallas import tpu_sc as plsc


_GATHER_WORKERS = 8


def _sc_gather_body(nodes_hbm, table_hbm, out_hbm, idx_v, rows_v, sem):
    wid = lax.axis_index("s")
    deg = idx_v.shape[0]
    per = deg // _GATHER_WORKERS

    @pl.when(wid < _GATHER_WORKERS)
    def _():
        base = nodes_hbm.shape[0] - deg
        pltpu.sync_copy(nodes_hbm.at[pl.ds(base, deg)], idx_v)
        my = pl.ds(wid * per, per)
        pltpu.async_copy(table_hbm.at[idx_v.at[my]], rows_v, sem).wait()
        pltpu.sync_copy(rows_v, out_hbm.at[my])


@functools.cache
def _make_sc_gather(n_rows, deg, d):
    return pl.kernel(
        _sc_gather_body,
        out_type=jax.ShapeDtypeStruct((deg, d), jnp.float32),
        mesh=plsc.VectorSubcoreMesh(core_axis_name="c", subcore_axis_name="s", num_cores=1, num_subcores=8),
        scratch_types=[
            pltpu.VMEM((deg,), jnp.int32),
            pltpu.VMEM((deg // _GATHER_WORKERS, d), jnp.float32),
            pltpu.SemaphoreType.DMA,
        ],
    )


def _dense_body(q_ref, mv_ref, table_any, rows_ref,
                Wf_ref, Wi_ref, Wo_ref, bf_ref, bi_ref, bo_ref,
                Wmv_ref, bmv_ref, W1_ref, b1_ref, W2_ref, b2_ref,
                out_ref, qmv_v, sem):
    cq = pltpu.make_async_copy(
        table_any.at[pl.ds(q_ref[0], 1)], qmv_v.at[pl.ds(0, 1)], sem)
    cmv = pltpu.make_async_copy(
        table_any.at[pl.ds(mv_ref[0], 1)], qmv_v.at[pl.ds(1, 1)], sem)
    cq.start()
    cmv.start()

    neigh = rows_ref[...]
    dot = functools.partial(jnp.dot, preferred_element_type=jnp.float32)
    f = jax.nn.sigmoid(dot(neigh, Wf_ref[...]) + bf_ref[...])
    g = jax.nn.sigmoid(dot(neigh, Wi_ref[...]) + bi_ref[...])
    o = jax.nn.sigmoid(dot(neigh, Wo_ref[...]) + bo_ref[...])
    deg = neigh.shape[0]
    agg = jnp.sum(f * g * o, axis=0, keepdims=True) * (1.0 / deg)

    cq.wait()
    cmv.wait()
    fq = qmv_v[0:1, :]
    fmv = qmv_v[1:2, :]
    d = fq.shape[1]
    agg_b = dot(agg, Wmv_ref[d:2 * d, :]) + bmv_ref[...]
    hq = jnp.tanh(dot(fq, Wmv_ref[0:d, :]) + agg_b)
    hmv = jnp.tanh(dot(fmv, Wmv_ref[0:d, :]) + agg_b)

    hidden = jnp.maximum(
        dot(hq, W1_ref[0:d, :]) + dot(hmv, W1_ref[d:2 * d, :]) + b1_ref[...],
        0.0,
    )
    out_ref[0, 0] = jnp.sum(hidden * W2_ref[...]) + b2_ref[0, 0]


def kernel(query, mv, k, nodes_with_their_neighbors, feats_dict,
           Wf, bf, Wi, bi, Wo, bo, Wmv, bmv, W1, b1, W2, b2):
    n_rows, deg = nodes_with_their_neighbors.shape
    d = feats_dict.shape[1]

    rows = _make_sc_gather(n_rows, deg, d)(
        nodes_with_their_neighbors.reshape(n_rows * deg), feats_dict)

    q1 = jnp.asarray(query, jnp.int32).reshape(1)
    mv1 = jnp.asarray(mv, jnp.int32).reshape(1)

    smem = pl.BlockSpec(memory_space=pltpu.SMEM)
    vmem = pl.BlockSpec(memory_space=pltpu.VMEM)
    out = pl.pallas_call(
        _dense_body,
        out_shape=jax.ShapeDtypeStruct((1, 1), jnp.float32),
        in_specs=[smem, smem, pl.BlockSpec(memory_space=pl.ANY)]
        + [vmem] * 13,
        out_specs=smem,
        scratch_shapes=[
            pltpu.VMEM((2, d), jnp.float32),
            pltpu.SemaphoreType.DMA,
        ],
    )(
        q1, mv1, feats_dict, rows,
        Wf, Wi, Wo,
        bf.reshape(1, d), bi.reshape(1, d), bo.reshape(1, d),
        Wmv, bmv.reshape(1, d), W1, b1.reshape(1, -1),
        W2.reshape(1, -1), b2.reshape(1, 1),
    )
    return out.reshape(1)

# --- scband reference (transcript-rebuilt; emitter-appended) ---
"""Pipeline reference for scband-gnn-model-59665685676076 (READ-ONLY COPY).

The authoritative reference and input builder live on the scoring server;
editing this copy changes nothing except your own understanding.
"""

import jax, jax.numpy as jnp
import numpy as np

N_NODES = 100000
D = 128
DEG = 64
K = 3
HIDDEN = 256


def _mv_aggregator(node_feat, neigh_feats, Wf, bf, Wi, bi, Wo, bo, Wmv, bmv):
    # LSTM-style gated aggregation over sampled neighbor features
    f = jax.nn.sigmoid(neigh_feats @ Wf + bf)
    g = jax.nn.sigmoid(neigh_feats @ Wi + bi)
    o = jax.nn.sigmoid(neigh_feats @ Wo + bo)
    agg = jnp.mean(f * g * o, axis=0)                       # [D]
    cat = jnp.concatenate([node_feat, agg], axis=0)         # [2D]
    return jnp.tanh(cat @ Wmv + bmv)                        # [D] == input_dim


def setup_inputs(seed: int = 0) -> dict:
    key = jax.random.key(seed)
    ks = jax.random.split(key, 12)
    feats_dict = jax.random.normal(ks[0], (N_NODES, D), dtype=jnp.float32)
    nodes_with_their_neighbors = jax.random.randint(ks[1], (K, DEG), 0, N_NODES, dtype=jnp.int32)
    s = 0.05
    inp = {
        'query': 12345,
        'mv': 54321,
        'k': K,
        'nodes_with_their_neighbors': nodes_with_their_neighbors,
        'feats_dict': feats_dict,
        'Wf': jax.random.normal(ks[2], (D, D), dtype=jnp.float32) * s,
        'bf': jnp.zeros((D,), dtype=jnp.float32),
        'Wi': jax.random.normal(ks[3], (D, D), dtype=jnp.float32) * s,
        'bi': jnp.zeros((D,), dtype=jnp.float32),
        'Wo': jax.random.normal(ks[4], (D, D), dtype=jnp.float32) * s,
        'bo': jnp.zeros((D,), dtype=jnp.float32),
        'Wmv': jax.random.normal(ks[5], (2 * D, D), dtype=jnp.float32) * s,
        'bmv': jnp.zeros((D,), dtype=jnp.float32),
        'W1': jax.random.normal(ks[6], (2 * D, HIDDEN), dtype=jnp.float32) * s,
        'b1': jnp.zeros((HIDDEN,), dtype=jnp.float32),
        'W2': jax.random.normal(ks[7], (HIDDEN, 1), dtype=jnp.float32) * s,
        'b2': jnp.zeros((1,), dtype=jnp.float32),
    }
    return inp


def reference(query, mv, k, nodes_with_their_neighbors, feats_dict,
              Wf, bf, Wi, bi, Wo, bo, Wmv, bmv, W1, b1, W2, b2):
    query_emb = None
    mv_emb = None
    n_rows = nodes_with_their_neighbors.shape[0]
    for i in range(n_rows):
        row_idx = jnp.minimum(jnp.asarray(i, dtype=jnp.int32), k - 1)
        neigh_idx = jnp.take(nodes_with_their_neighbors, row_idx, axis=0)  # [DEG]
        neigh_feats = jnp.take(feats_dict, neigh_idx, axis=0)        # gather [DEG, D]
        query_emb = _mv_aggregator(feats_dict[query], neigh_feats, Wf, bf, Wi, bi, Wo, bo, Wmv, bmv)
        mv_emb = _mv_aggregator(feats_dict[mv], neigh_feats, Wf, bf, Wi, bi, Wo, bo, Wmv, bmv)
    concat_emb = jnp.concatenate([query_emb, mv_emb], axis=0)        # [2D]
    hidden = jax.nn.relu(concat_emb @ W1 + b1)
    benefit = hidden @ W2 + b2                                       # [1]
    return benefit

if __name__ == "__main__":
    import jax
    _d = setup_inputs()
    print(jax.jit(kernel)(*tuple(_d.values())))

</pallas_src>

<mosaic_0001>
#map = affine_map<(d0, d1) -> (0)>
#map1 = affine_map<(d0, d1) -> (0, 0)>
module attributes {stable_mosaic.version = 14 : i64} {
  func.func @_sc_gather_body(%arg0: i32, %arg1: i32, %arg2: memref<192xi32, #tpu.memory_space<hbm>>, %arg3: memref<100000x128xf32, #tpu.memory_space<hbm>>, %arg4: memref<64x128xf32, #tpu.memory_space<hbm>>, %arg5: memref<64xi32, #tpu.memory_space<vmem>>, %arg6: memref<8x128xf32, #tpu.memory_space<vmem>>, %arg7: memref<!tpu.dma_semaphore, #tpu.memory_space<semaphore_mem>>) attributes {dimension_semantics = [#tpu.dimension_semantics<core_parallel>, #tpu.dimension_semantics<subcore_parallel>], iteration_bounds = array<i64: 1, 8>, scalar_prefetch = 0 : i64, scratch_operands = 3 : i64, tpu.core_type = #tpu.core_type<sc_vector_subcore>, window_params = [{transform_indices = #map}, {transform_indices = #map1}, {transform_indices = #map1}]} {
    %lt3A = arith.constant 8 : i32
    %lt3A_0 = arith.cmpi slt, %arg1, %lt3A : i32
    %convert_element_type3A = arith.extui %lt3A_0 : i1 to i32
    %cond3A = arith.constant 0 : i32
    %cond3A_1 = arith.cmpi ne, %convert_element_type3A, %cond3A : i32
    scf.if %cond3A_1 {
      "tpu.region"() ({
        %run_scoped3A = tpu.sem_alloc : memref<!tpu.dma_semaphore, #tpu.memory_space<semaphore_mem>>
        %dma_start3A_9 = arith.constant 128 : i32
        %dma_start3A_10 = tpu.memref_slice %arg2[%dma_start3A_9] : memref<192xi32, #tpu.memory_space<hbm>> -> memref<64xi32, #tpu.memory_space<hbm>>
        %dma_start3A_11 = arith.constant 128 : i32
        %dma_start3A_12 = tpu.memref_slice %arg2[%dma_start3A_11] : memref<192xi32, #tpu.memory_space<hbm>> -> memref<64xi32, #tpu.memory_space<hbm>>
        tpu.enqueue_dma source(%dma_start3A_12 : memref<64xi32, #tpu.memory_space<hbm>>) target(%arg5 : memref<64xi32, #tpu.memory_space<vmem>>) target_semaphore(%run_scoped3A : memref<!tpu.dma_semaphore, #tpu.memory_space<semaphore_mem>>)
        %dma_wait3A_13 = arith.constant 128 : i32
        %dma_wait3A_14 = tpu.memref_slice %arg2[%dma_wait3A_13] : memref<192xi32, #tpu.memory_space<hbm>> -> memref<64xi32, #tpu.memory_space<hbm>>
        %dma_wait3A_15 = arith.constant 128 : i32
        %dma_wait3A_16 = tpu.memref_slice %arg2[%dma_wait3A_15] : memref<192xi32, #tpu.memory_space<hbm>> -> memref<64xi32, #tpu.memory_space<hbm>>
        tpu.wait_dma2 semaphore(%run_scoped3A : memref<!tpu.dma_semaphore, #tpu.memory_space<semaphore_mem>>) src(%dma_wait3A_16 : memref<64xi32, #tpu.memory_space<hbm>>) dst(%arg5 : memref<64xi32, #tpu.memory_space<vmem>>)
        tpu.yield
      }) : () -> ()
      %mul3A = arith.constant 8 : i32
      %mul3A_2 = arith.muli %arg1, %mul3A : i32
      %dma_start3A = tpu.memref_slice %arg5[%mul3A_2] : memref<64xi32, #tpu.memory_space<vmem>> -> memref<8xi32, #tpu.memory_space<vmem>>
      %dma_start3A_3 = arith.constant 0 : i32
      %dma_start3A_4 = arith.constant 0 : i32
      %dma_start3A_5 = tpu.memref_slice %arg3[%dma_start3A_3, %dma_start3A_4] : memref<100000x128xf32, #tpu.memory_space<hbm>> -> memref<100000x128xf32, #tpu.memory_space<hbm>>
      tpu.enqueue_indirect_dma source(%dma_start3A_5 : memref<100000x128xf32, #tpu.memory_space<hbm>>) target(%arg6 : memref<8x128xf32, #tpu.memory_space<vmem>>) offsets(%dma_start3A : memref<8xi32, #tpu.memory_space<vmem>>) semaphore(%arg7 : memref<!tpu.dma_semaphore, #tpu.memory_space<semaphore_mem>>)
      %dma_wait3A = tpu.memref_slice %arg5[%mul3A_2] : memref<64xi32, #tpu.memory_space<vmem>> -> memref<8xi32, #tpu.memory_space<vmem>>
      %dma_wait3A_6 = arith.constant 0 : i32
      %dma_wait3A_7 = arith.constant 0 : i32
      %dma_wait3A_8 = tpu.memref_slice %arg3[%dma_wait3A_6, %dma_wait3A_7] : memref<100000x128xf32, #tpu.memory_space<hbm>> -> memref<100000x128xf32, #tpu.memory_space<hbm>>
      tpu.wait_indirect_dma semaphore(%arg7 : memref<!tpu.dma_semaphore, #tpu.memory_space<semaphore_mem>>) src(%dma_wait3A_8 : memref<100000x128xf32, #tpu.memory_space<hbm>>) dst(%arg6 : memref<8x128xf32, #tpu.memory_space<vmem>>)
      "tpu.region"() ({
        %run_scoped3A = tpu.sem_alloc : memref<!tpu.dma_semaphore, #tpu.memory_space<semaphore_mem>>
        %dma_start3A_9 = arith.constant 0 : i32
        %dma_start3A_10 = tpu.memref_slice %arg4[%mul3A_2, %dma_start3A_9] : memref<64x128xf32, #tpu.memory_space<hbm>> -> memref<8x128xf32, #tpu.memory_space<hbm>>
        %dma_start3A_11 = arith.constant 0 : i32
        %dma_start3A_12 = tpu.memref_slice %arg4[%mul3A_2, %dma_start3A_11] : memref<64x128xf32, #tpu.memory_space<hbm>> -> memref<8x128xf32, #tpu.memory_space<hbm>>
        tpu.enqueue_dma source(%arg6 : memref<8x128xf32, #tpu.memory_space<vmem>>) target(%dma_start3A_12 : memref<8x128xf32, #tpu.memory_space<hbm>>) target_semaphore(%run_scoped3A : memref<!tpu.dma_semaphore, #tpu.memory_space<semaphore_mem>>)
        %dma_wait3A_13 = arith.constant 0 : i32
        %dma_wait3A_14 = tpu.memref_slice %arg4[%mul3A_2, %dma_wait3A_13] : memref<64x128xf32, #tpu.memory_space<hbm>> -> memref<8x128xf32, #tpu.memory_space<hbm>>
        %dma_wait3A_15 = arith.constant 0 : i32
        %dma_wait3A_16 = tpu.memref_slice %arg4[%mul3A_2, %dma_wait3A_15] : memref<64x128xf32, #tpu.memory_space<hbm>> -> memref<8x128xf32, #tpu.memory_space<hbm>>
        tpu.wait_dma2 semaphore(%run_scoped3A : memref<!tpu.dma_semaphore, #tpu.memory_space<semaphore_mem>>) src(%arg6 : memref<8x128xf32, #tpu.memory_space<vmem>>) dst(%dma_wait3A_16 : memref<8x128xf32, #tpu.memory_space<hbm>>)
        tpu.yield
      }) : () -> ()
    } else {
    }
    return
  }
}

module attributes {stable_mosaic.version = 14 : i64} {
  func.func @_dense_body(%arg0: memref<1xi32, #tpu.memory_space<smem>>, %arg1: memref<1xi32, #tpu.memory_space<smem>>, %arg2: memref<100000x128xf32, #tpu.memory_space<any>>, %arg3: memref<64x128xf32, #tpu.memory_space<vmem>>, %arg4: memref<128x128xf32, #tpu.memory_space<vmem>>, %arg5: memref<128x128xf32, #tpu.memory_space<vmem>>, %arg6: memref<128x128xf32, #tpu.memory_space<vmem>>, %arg7: memref<1x128xf32, #tpu.memory_space<vmem>>, %arg8: memref<1x128xf32, #tpu.memory_space<vmem>>, %arg9: memref<1x128xf32, #tpu.memory_space<vmem>>, %arg10: memref<256x128xf32, #tpu.memory_space<vmem>>, %arg11: memref<1x128xf32, #tpu.memory_space<vmem>>, %arg12: memref<256x256xf32, #tpu.memory_space<vmem>>, %arg13: memref<1x256xf32, #tpu.memory_space<vmem>>, %arg14: memref<1x256xf32, #tpu.memory_space<vmem>>, %arg15: memref<1x1xf32, #tpu.memory_space<vmem>>, %arg16: memref<1x1xf32, #tpu.memory_space<smem>>, %arg17: memref<2x128xf32, #tpu.memory_space<vmem>>, %arg18: memref<!tpu.dma_semaphore, #tpu.memory_space<semaphore_mem>>) attributes {dimension_semantics = [], scalar_prefetch = 0 : i64, scratch_operands = 2 : i64, tpu.core_type = #tpu.core_type<tc>} {
    %get3A = arith.constant 0 : index
    %get3A_0 = memref.load %arg0[%get3A] : memref<1xi32, #tpu.memory_space<smem>>
    %get3A_1 = arith.constant 0 : index
    %get3A_2 = memref.load %arg1[%get3A_1] : memref<1xi32, #tpu.memory_space<smem>>
    %dma_start3A = arith.constant 0 : i32
    %dma_start3A_3 = arith.constant 0 : i32
    %dma_start3A_4 = tpu.memref_slice %arg17[%dma_start3A, %dma_start3A_3] : memref<2x128xf32, #tpu.memory_space<vmem>> -> memref<1x128xf32, #tpu.memory_space<vmem>>
    %dma_start3A_5 = arith.constant 0 : i32
    %dma_start3A_6 = tpu.memref_slice %arg2[%get3A_0, %dma_start3A_5] : memref<100000x128xf32, #tpu.memory_space<any>> -> memref<1x128xf32, #tpu.memory_space<any>>
    tpu.enqueue_dma source(%dma_start3A_6 : memref<1x128xf32, #tpu.memory_space<any>>) target(%dma_start3A_4 : memref<1x128xf32, #tpu.memory_space<vmem>>) target_semaphore(%arg18 : memref<!tpu.dma_semaphore, #tpu.memory_space<semaphore_mem>>)
    %dma_start3A_7 = arith.constant 1 : i32
    %dma_start3A_8 = arith.constant 0 : i32
    %dma_start3A_9 = tpu.memref_slice %arg17[%dma_start3A_7, %dma_start3A_8] : memref<2x128xf32, #tpu.memory_space<vmem>> -> memref<1x128xf32, #tpu.memory_space<vmem>>
    %dma_start3A_10 = arith.constant 0 : i32
    %dma_start3A_11 = tpu.memref_slice %arg2[%get3A_2, %dma_start3A_10] : memref<100000x128xf32, #tpu.memory_space<any>> -> memref<1x128xf32, #tpu.memory_space<any>>
    tpu.enqueue_dma source(%dma_start3A_11 : memref<1x128xf32, #tpu.memory_space<any>>) target(%dma_start3A_9 : memref<1x128xf32, #tpu.memory_space<vmem>>) target_semaphore(%arg18 : memref<!tpu.dma_semaphore, #tpu.memory_space<semaphore_mem>>)
    %get3A_12 = arith.constant 0 : index
    %get3A_13 = arith.constant 0 : index
    %get3A_14 = vector.load %arg3[%get3A_12, %get3A_13] : memref<64x128xf32, #tpu.memory_space<vmem>>, vector<64x128xf32>
    %get3A_15 = arith.constant 0 : index
    %get3A_16 = arith.constant 0 : index
    %get3A_17 = vector.load %arg4[%get3A_15, %get3A_16] : memref<128x128xf32, #tpu.memory_space<vmem>>, vector<128x128xf32>
    %dot_general3A = arith.constant dense<0.000000e+00> : vector<64x128xf32>
    %dot_general3A_18 = tpu.matmul %get3A_14, %get3A_17, %dot_general3A {dimension_numbers = #tpu.dot_dimension_numbers<[1], [0], [0], [1], [0, 0, 1, 1], [], []>, transpose_lhs_hint = false} : vector<64x128xf32>, vector<128x128xf32>, vector<64x128xf32> -> vector<64x128xf32>
    %get3A_19 = arith.constant 0 : index
    %get3A_20 = arith.constant 0 : index
    %get3A_21 = vector.load %arg7[%get3A_19, %get3A_20] : memref<1x128xf32, #tpu.memory_space<vmem>>, vector<1x128xf32>
    %add3A = vector.broadcast %get3A_21 : vector<1x128xf32> to vector<64x128xf32>
    %add3A_22 = arith.addf %dot_general3A_18, %add3A : vector<64x128xf32>
    %logistic3A = arith.negf %add3A_22 : vector<64x128xf32>
    %logistic3A_23 = math.exp %logistic3A : vector<64x128xf32>
    %logistic3A_24 = arith.constant 1.000000e+00 : f32
    %logistic3A_25 = vector.broadcast %logistic3A_24 : f32 to vector<64x128xf32>
    %logistic3A_26 = arith.addf %logistic3A_25, %logistic3A_23 : vector<64x128xf32>
    %logistic3A_27 = arith.divf %logistic3A_25, %logistic3A_26 : vector<64x128xf32>
    %get3A_28 = arith.constant 0 : index
    %get3A_29 = arith.constant 0 : index
    %get3A_30 = vector.load %arg5[%get3A_28, %get3A_29] : memref<128x128xf32, #tpu.memory_space<vmem>>, vector<128x128xf32>
    %dot_general3A_31 = arith.constant dense<0.000000e+00> : vector<64x128xf32>
    %dot_general3A_32 = tpu.matmul %get3A_14, %get3A_30, %dot_general3A_31 {dimension_numbers = #tpu.dot_dimension_numbers<[1], [0], [0], [1], [0, 0, 1, 1], [], []>, transpose_lhs_hint = false} : vector<64x128xf32>, vector<128x128xf32>, vector<64x128xf32> -> vector<64x128xf32>
    %get3A_33 = arith.constant 0 : index
    %get3A_34 = arith.constant 0 : index
    %get3A_35 = vector.load %arg8[%get3A_33, %get3A_34] : memref<1x128xf32, #tpu.memory_space<vmem>>, vector<1x128xf32>
    %add3A_36 = vector.broadcast %get3A_35 : vector<1x128xf32> to vector<64x128xf32>
    %add3A_37 = arith.addf %dot_general3A_32, %add3A_36 : vector<64x128xf32>
    %logistic3A_38 = arith.negf %add3A_37 : vector<64x128xf32>
    %logistic3A_39 = math.exp %logistic3A_38 : vector<64x128xf32>
    %logistic3A_40 = arith.constant 1.000000e+00 : f32
    %logistic3A_41 = vector.broadcast %logistic3A_40 : f32 to vector<64x128xf32>
    %logistic3A_42 = arith.addf %logistic3A_41, %logistic3A_39 : vector<64x128xf32>
    %logistic3A_43 = arith.divf %logistic3A_41, %logistic3A_42 : vector<64x128xf32>
    %get3A_44 = arith.constant 0 : index
    %get3A_45 = arith.constant 0 : index
    %get3A_46 = vector.load %arg6[%get3A_44, %get3A_45] : memref<128x128xf32, #tpu.memory_space<vmem>>, vector<128x128xf32>
    %dot_general3A_47 = arith.constant dense<0.000000e+00> : vector<64x128xf32>
    %dot_general3A_48 = tpu.matmul %get3A_14, %get3A_46, %dot_general3A_47 {dimension_numbers = #tpu.dot_dimension_numbers<[1], [0], [0], [1], [0, 0, 1, 1], [], []>, transpose_lhs_hint = false} : vector<64x128xf32>, vector<128x128xf32>, vector<64x128xf32> -> vector<64x128xf32>
    %get3A_49 = arith.constant 0 : index
    %get3A_50 = arith.constant 0 : index
    %get3A_51 = vector.load %arg9[%get3A_49, %get3A_50] : memref<1x128xf32, #tpu.memory_space<vmem>>, vector<1x128xf32>
    %add3A_52 = vector.broadcast %get3A_51 : vector<1x128xf32> to vector<64x128xf32>
    %add3A_53 = arith.addf %dot_general3A_48, %add3A_52 : vector<64x128xf32>
    %logistic3A_54 = arith.negf %add3A_53 : vector<64x128xf32>
    %logistic3A_55 = math.exp %logistic3A_54 : vector<64x128xf32>
    %logistic3A_56 = arith.constant 1.000000e+00 : f32
    %logistic3A_57 = vector.broadcast %logistic3A_56 : f32 to vector<64x128xf32>
    %logistic3A_58 = arith.addf %logistic3A_57, %logistic3A_55 : vector<64x128xf32>
    %logistic3A_59 = arith.divf %logistic3A_57, %logistic3A_58 : vector<64x128xf32>
    %mul3A = arith.mulf %logistic3A_27, %logistic3A_43 : vector<64x128xf32>
    %mul3A_60 = arith.mulf %mul3A, %logistic3A_59 : vector<64x128xf32>
    %reduce_sum3A = arith.constant dense<0.000000e+00> : vector<128xf32>
    %reduce_sum3A_61 = vector.multi_reduction <add>, %mul3A_60, %reduce_sum3A [0] : vector<64x128xf32> to vector<128xf32>
    %broadcast_in_dim3A = vector.shape_cast %reduce_sum3A_61 : vector<128xf32> to vector<1x128xf32>
    %mul3A_62 = arith.constant 1.562500e-02 : f32
    %mul3A_63 = vector.broadcast %mul3A_62 : f32 to vector<1x128xf32>
    %mul3A_64 = arith.mulf %broadcast_in_dim3A, %mul3A_63 : vector<1x128xf32>
    %dma_wait3A = arith.constant 0 : i32
    %dma_wait3A_65 = arith.constant 0 : i32
    %dma_wait3A_66 = tpu.memref_slice %arg17[%dma_wait3A, %dma_wait3A_65] : memref<2x128xf32, #tpu.memory_space<vmem>> -> memref<1x128xf32, #tpu.memory_space<vmem>>
    %dma_wait3A_67 = arith.constant 0 : i32
    %dma_wait3A_68 = tpu.memref_slice %arg2[%get3A_0, %dma_wait3A_67] : memref<100000x128xf32, #tpu.memory_space<any>> -> memref<1x128xf32, #tpu.memory_space<any>>
    tpu.wait_dma2 semaphore(%arg18 : memref<!tpu.dma_semaphore, #tpu.memory_space<semaphore_mem>>) src(%dma_wait3A_68 : memref<1x128xf32, #tpu.memory_space<any>>) dst(%dma_wait3A_66 : memref<1x128xf32, #tpu.memory_space<vmem>>)
    %dma_wait3A_69 = arith.constant 1 : i32
    %dma_wait3A_70 = arith.constant 0 : i32
    %dma_wait3A_71 = tpu.memref_slice %arg17[%dma_wait3A_69, %dma_wait3A_70] : memref<2x128xf32, #tpu.memory_space<vmem>> -> memref<1x128xf32, #tpu.memory_space<vmem>>
    %dma_wait3A_72 = arith.constant 0 : i32
    %dma_wait3A_73 = tpu.memref_slice %arg2[%get3A_2, %dma_wait3A_72] : memref<100000x128xf32, #tpu.memory_space<any>> -> memref<1x128xf32, #tpu.memory_space<any>>
    tpu.wait_dma2 semaphore(%arg18 : memref<!tpu.dma_semaphore, #tpu.memory_space<semaphore_mem>>) src(%dma_wait3A_73 : memref<1x128xf32, #tpu.memory_space<any>>) dst(%dma_wait3A_71 : memref<1x128xf32, #tpu.memory_space<vmem>>)
    %get3A_74 = arith.constant 0 : index
    %get3A_75 = arith.constant 0 : index
    %get3A_76 = vector.load %arg17[%get3A_74, %get3A_75] : memref<2x128xf32, #tpu.memory_space<vmem>>, vector<1x128xf32>
    %get3A_77 = arith.constant 1 : index
    %get3A_78 = arith.constant 0 : index
    %get3A_79 = vector.load %arg17[%get3A_77, %get3A_78] : memref<2x128xf32, #tpu.memory_space<vmem>>, vector<1x128xf32>
    %get3A_80 = arith.constant 128 : index
    %get3A_81 = arith.constant 0 : index
    %get3A_82 = vector.load %arg10[%get3A_80, %get3A_81] : memref<256x128xf32, #tpu.memory_space<vmem>>, vector<128x128xf32>
    %dot_general3A_83 = arith.constant dense<0.000000e+00> : vector<1x128xf32>
    %dot_general3A_84 = tpu.matmul %mul3A_64, %get3A_82, %dot_general3A_83 {dimension_numbers = #tpu.dot_dimension_numbers<[1], [0], [0], [1], [0, 0, 1, 1], [], []>, transpose_lhs_hint = false} : vector<1x128xf32>, vector<128x128xf32>, vector<1x128xf32> -> vector<1x128xf32>
    %get3A_85 = arith.constant 0 : index
    %get3A_86 = arith.constant 0 : index
    %get3A_87 = vector.load %arg11[%get3A_85, %get3A_86] : memref<1x128xf32, #tpu.memory_space<vmem>>, vector<1x128xf32>
    %add3A_88 = arith.addf %dot_general3A_84, %get3A_87 : vector<1x128xf32>
    %get3A_89 = arith.constant 0 : index
    %get3A_90 = arith.constant 0 : index
    %get3A_91 = vector.load %arg10[%get3A_89, %get3A_90] : memref<256x128xf32, #tpu.memory_space<vmem>>, vector<128x128xf32>
    %dot_general3A_92 = arith.constant dense<0.000000e+00> : vector<1x128xf32>
    %dot_general3A_93 = tpu.matmul %get3A_76, %get3A_91, %dot_general3A_92 {dimension_numbers = #tpu.dot_dimension_numbers<[1], [0], [0], [1], [0, 0, 1, 1], [], []>, transpose_lhs_hint = false} : vector<1x128xf32>, vector<128x128xf32>, vector<1x128xf32> -> vector<1x128xf32>
    %add3A_94 = arith.addf %dot_general3A_93, %add3A_88 : vector<1x128xf32>
    %tanh3A = math.tanh %add3A_94 : vector<1x128xf32>
    %get3A_95 = arith.constant 0 : index
    %get3A_96 = arith.constant 0 : index
    %get3A_97 = vector.load %arg10[%get3A_95, %get3A_96] : memref<256x128xf32, #tpu.memory_space<vmem>>, vector<128x128xf32>
    %dot_general3A_98 = arith.constant dense<0.000000e+00> : vector<1x128xf32>
    %dot_general3A_99 = tpu.matmul %get3A_79, %get3A_97, %dot_general3A_98 {dimension_numbers = #tpu.dot_dimension_numbers<[1], [0], [0], [1], [0, 0, 1, 1], [], []>, transpose_lhs_hint = false} : vector<1x128xf32>, vector<128x128xf32>, vector<1x128xf32> -> vector<1x128xf32>
    %add3A_100 = arith.addf %dot_general3A_99, %add3A_88 : vector<1x128xf32>
    %tanh3A_101 = math.tanh %add3A_100 : vector<1x128xf32>
    %get3A_102 = arith.constant 0 : index
    %get3A_103 = arith.constant 0 : index
    %get3A_104 = vector.load %arg12[%get3A_102, %get3A_103] : memref<256x256xf32, #tpu.memory_space<vmem>>, vector<128x256xf32>
    %dot_general3A_105 = arith.constant dense<0.000000e+00> : vector<1x256xf32>
    %dot_general3A_106 = tpu.matmul %tanh3A, %get3A_104, %dot_general3A_105 {dimension_numbers = #tpu.dot_dimension_numbers<[1], [0], [0], [1], [0, 0, 1, 1], [], []>, transpose_lhs_hint = false} : vector<1x128xf32>, vector<128x256xf32>, vector<1x256xf32> -> vector<1x256xf32>
    %get3A_107 = arith.constant 128 : index
    %get3A_108 = arith.constant 0 : index
    %get3A_109 = vector.load %arg12[%get3A_107, %get3A_108] : memref<256x256xf32, #tpu.memory_space<vmem>>, vector<128x256xf32>
    %dot_general3A_110 = arith.constant dense<0.000000e+00> : vector<1x256xf32>
    %dot_general3A_111 = tpu.matmul %tanh3A_101, %get3A_109, %dot_general3A_110 {dimension_numbers = #tpu.dot_dimension_numbers<[1], [0], [0], [1], [0, 0, 1, 1], [], []>, transpose_lhs_hint = false} : vector<1x128xf32>, vector<128x256xf32>, vector<1x256xf32> -> vector<1x256xf32>
    %add3A_112 = arith.addf %dot_general3A_106, %dot_general3A_111 : vector<1x256xf32>
    %get3A_113 = arith.constant 0 : index
    %get3A_114 = arith.constant 0 : index
    %get3A_115 = vector.load %arg13[%get3A_113, %get3A_114] : memref<1x256xf32, #tpu.memory_space<vmem>>, vector<1x256xf32>
    %add3A_116 = arith.addf %add3A_112, %get3A_115 : vector<1x256xf32>
    %max3A = arith.constant 0.000000e+00 : f32
    %max3A_117 = vector.broadcast %max3A : f32 to vector<1x256xf32>
    %max3A_118 = arith.maximumf %add3A_116, %max3A_117 : vector<1x256xf32>
    %get3A_119 = arith.constant 0 : index
    %get3A_120 = arith.constant 0 : index
    %get3A_121 = vector.load %arg14[%get3A_119, %get3A_120] : memref<1x256xf32, #tpu.memory_space<vmem>>, vector<1x256xf32>
    %mul3A_122 = arith.mulf %max3A_118, %get3A_121 : vector<1x256xf32>
    %reduce_sum3A_123 = vector.shape_cast %mul3A_122 : vector<1x256xf32> to vector<1x1x256xf32>
    %reduce_sum3A_124 = arith.constant dense<0.000000e+00> : vector<1xf32>
    %reduce_sum3A_125 = vector.multi_reduction <add>, %reduce_sum3A_123, %reduce_sum3A_124 [1, 2] : vector<1x1x256xf32> to vector<1xf32>
    %reduce_sum3A_126 = vector.shape_cast %reduce_sum3A_125 : vector<1xf32> to vector<1x1x1xf32>
    %reduce_sum3A_127 = vector.extract %reduce_sum3A_126[0, 0, 0] : f32 from vector<1x1x1xf32>
    %get3A_128 = arith.constant 0 : index
    %get3A_129 = arith.constant 0 : index
    %get3A_130 = vector.load %arg15[%get3A_128, %get3A_129] : memref<1x1xf32, #tpu.memory_space<vmem>>, vector<1x1xf32>
    %get3A_131 = vector.extract %get3A_130[0, 0] : f32 from vector<1x1xf32>
    %add3A_132 = arith.addf %reduce_sum3A_127, %get3A_131 : f32
    %swap3A = arith.constant 0 : index
    %swap3A_133 = arith.constant 0 : index
    %swap3A_134 = memref.load %arg16[%swap3A, %swap3A_133] : memref<1x1xf32, #tpu.memory_space<smem>>
    memref.store %add3A_132, %arg16[%swap3A, %swap3A_133] : memref<1x1xf32, #tpu.memory_space<smem>>
    return
  }
}

</mosaic_0001>

<sc_bundles>
// kernel: kernel.4.cloned.1.call-start
scs
__scs_entry_jumppad:
0x0: {  	(pc) =	sbr.rel $0x88, $3  }
0x1: {  	(tag) =	ssettag $0x0;
	lr =	simm.s32 $0x1  }
0x2: {  	[smem:$0x3F91] =	sst lr;
	_ =	strace $0xD0000000  }
0x3: {  	_ = 	snop  }
0x4: {  	_ = 	snop  }
0x5: {  	_ = 	snop  }
0x6: {  	_ = 	snop  }
0x7: {  	_ = 	snop  }
__scs_overlays_trampoline_lowered:
0x8: {  	[smem:$0x3FA0] =	sst s0  }
0x9: {  	[smem:$0x3FA1] =	sst s1  }
0xa: {  	[smem:$0x3FA2] =	sst s2  }
0xb: {  	[smem:$0x3FA3] =	sst s3  }
0xc: {  	[smem:$0x3FA4] =	sst s4  }
0xd: {  	[smem:$0x3FA5] =	sst s5  }
0xe: {  	[smem:$0x3FA6] =	sst s6  }
0xf: {  	[smem:$0x3FA7] =	sst s7  }
0x10: {  	[smem:$0x3FA8] =	sst s8  }
0x11: {  	[smem:$0x3FA9] =	sst s9;
	s0 =	simm.s32 @!p0 $0x0  }
0x12: {  	s1 =	sld [smem:$0x3F8F];
	s0 =	simm.s32 @p0 $0x1  }
0x13: {  	[smem:$0x3FAA] =	sst s0;
	s0 =	simm.s32 @!p1 $0x0  }
0x14: {  	s2 =	sld [smem:$0x3F8E];
	s0 =	simm.s32 @p1 $0x1  }
0x15: {  	[smem:$0x3FAB] =	sst s0;
	s0 =	simm.s32 @!p2 $0x0  }
0x16: {  	s3 =	sld [smem:$0x3FDB];
	s0 =	simm.s32 @p2 $0x1  }
0x17: {  	s4 =	simm.s32 $0x1BF5;
	[smem:$0x3FAD] =	sst s0  }
0x18: {  	s0 =	sld [smem:$0x3F90];
	_ =	swait.ge [sflag:s4], $0x0  }
0x19: {  	s7 =	sld [smem:$0x3F91]  }
0x1a: {  	s8 =	sadd.s32 $0xFFFFE003, lr  }
0x1b: {  	s9 =	sadd.s32 $0xFFFFFEF7, lr;
	s5 =	simm.s32 $0xFFFFFFFF;
	p2 =	slt.u32 s8, $0xFFFFF086  }
0x1c: {  	p1 =	slt.u32 s9, $0xF7A;
	s5 =	simm.s32 @!p2 $0x0  }
0x1d: {  	s5 =	simm.s32 @p1 $0x1;
	p0 =	seq.s32 s7, s2  }
0x1e: {  	s7 =	smul.u32 @!p0 $0xF7A, s2;
	p2 =	seq.s32 @!p0 s5, $0x0  }
0x1f: {  	s9 =	smul.u32 $0xF7A, s1;
	s8 =	simm.s32 @!p0 $0x1BF5;
	p2 =	por !p2, p0  }
0x20: {  	[sflag:s8] =	ssyncset.s32 @!p0 $0xFFFFF086;
	s6 =	sadd.s32 @!p0 s3, s7;
	s7 =	simm.s32 @!p0 $0x108  }
0x21: {  	s3 =	sadd.s32 s3, s9;
	s6 =	sadd.s32 @!p0 $0x88, s6;
	s7 =	simm.s32 @p2 $0x1082  }
0x22: {  	[simem:s7], [sflag:s8] =	dma.local @!p0 [hbm:s6], $0xF7A  }
0x23: {  	s9 =	sor.u32 $0xD0000000, s2;
	s6 =	simm.s32 $0x108;
	_ =	swait.ge @!p0 [sflag:s8], $0x0  }
0x24: {  	s3 =	sadd.s32 $0x88, s3;
	s6 =	simm.s32 @!p1 $0x1082;
	[sflag:s4] =	ssyncset.s32 $0xFFFFF086  }
0x25: {  	[simem:s6], [sflag:s4] =	dma.local [hbm:s3], $0xF7A  }
0x26: {  	[smem:$0x3F91] =	sst s1;
	(tag) =	ssettag s2;
	_ =	strace s9  }
0x27: {  	s1 =	sld [smem:$0x3FA1]  }
0x28: {  	s2 =	sld [smem:$0x3FA2]  }
0x29: {  	s4 =	sld [smem:$0x3FA4]  }
0x2a: {  	p0 =	seq.s32 s5, $0x0;
	s5 =	sld [smem:$0x3FA5]  }
0x2b: {  	s6 =	sld [smem:$0x3FA6]  }
0x2c: {  	s7 =	sld [smem:$0x3FA7]  }
0x2d: {  	s3 =	simm.s32 $0x108;
	s8 =	sld [smem:$0x3FA8]  }
0x2e: {  	s3 =	simm.s32 @!p0 $0x1082;
	s9 =	sld [smem:$0x3FA9]  }
0x2f: {  	lr =	sadd.s32 s0, s3;
	s0 =	sld [smem:$0x3FA0]  }
0x30: {  	s3 =	sld [smem:$0x3FA3]  }
0x31: {  	[smem:$0x3FAC] =	sst s10  }
0x32: {  	s10 =	sld [smem:$0x3FAA];
	_ =	sdelay $0x3  }
0x33: {  	p0 =	seq.s32 s10, $0x1;
	s10 =	sld [smem:$0x3FAC];
	_ =	sdelay $0x3  }
0x34: {  	[smem:$0x3FAC] =	sst s10  }
0x35: {  	s10 =	sld [smem:$0x3FAB];
	_ =	sdelay $0x3  }
0x36: {  	p1 =	seq.s32 s10, $0x1;
	s10 =	sld [smem:$0x3FAC];
	_ =	sdelay $0x3  }
0x37: {  	[smem:$0x3FAC] =	sst s10  }
0x38: {  	s10 =	sld [smem:$0x3FAD]  }
0x39: {  	_ = 	snop;
	(pc) =	sbr.ind lr, $3  }
0x3a: {  	_ = 	snop  }
0x3b: {  	_ = 	snop  }
0x3c: {  	p2 =	seq.s32 s10, $0x1;
	s10 =	sld [smem:$0x3FAC]  }
0x3d: {  	_ =	shalt  }
0x3e: {  	_ =	shalt  }
0x3f: {  	_ =	shalt  }
0x40: {  	_ =	shalt  }
0x41: {  	_ =	shalt  }
0x42: {  	_ =	shalt  }
0x43: {  	_ =	shalt  }
0x44: {  	_ =	shalt  }
0x45: {  	_ =	shalt  }
0x46: {  	_ =	shalt  }
0x47: {  	_ =	shalt  }
0x48: {  	_ =	shalt  }
0x49: {  	_ =	shalt  }
0x4a: {  	_ =	shalt  }
0x4b: {  	_ =	shalt  }
0x4c: {  	_ =	shalt  }
0x4d: {  	_ =	shalt  }
0x4e: {  	_ =	shalt  }
0x4f: {  	_ =	shalt  }
0x50: {  	_ =	shalt  }
0x51: {  	_ =	shalt  }
0x52: {  	_ =	shalt  }
0x53: {  	_ =	shalt  }
0x54: {  	_ =	shalt  }
0x55: {  	_ =	shalt  }
0x56: {  	_ =	shalt  }
0x57: {  	_ =	shalt  }
0x58: {  	_ =	shalt  }
0x59: {  	_ =	shalt  }
0x5a: {  	_ =	shalt  }
0x5b: {  	_ =	shalt  }
0x5c: {  	_ =	shalt  }
0x5d: {  	_ =	shalt  }
0x5e: {  	_ =	shalt  }
0x5f: {  	_ =	shalt  }
0x60: {  	_ =	shalt  }
0x61: {  	_ =	shalt  }
0x62: {  	_ =	shalt  }
0x63: {  	_ =	shalt  }
0x64: {  	_ =	shalt  }
0x65: {  	_ =	shalt  }
0x66: {  	_ =	shalt  }
0x67: {  	_ =	shalt  }
0x68: {  	_ =	shalt  }
0x69: {  	_ =	shalt  }
0x6a: {  	_ =	shalt  }
0x6b: {  	_ =	shalt  }
0x6c: {  	_ =	shalt  }
0x6d: {  	_ =	shalt  }
0x6e: {  	_ =	shalt  }
0x6f: {  	_ =	shalt  }
0x70: {  	_ =	shalt  }
0x71: {  	_ =	shalt  }
0x72: {  	_ =	shalt  }
0x73: {  	_ =	shalt  }
0x74: {  	_ =	shalt  }
0x75: {  	_ =	shalt  }
0x76: {  	_ =	shalt  }
0x77: {  	_ =	shalt  }
0x78: {  	_ =	shalt  }
0x79: {  	_ =	shalt  }
0x7a: {  	_ =	shalt  }
0x7b: {  	_ =	shalt  }
0x7c: {  	_ =	shalt  }
0x7d: {  	_ =	shalt  }
0x7e: {  	_ =	shalt  }
0x7f: {  	_ =	shalt  }
0x80: {  	_ =	shalt  }
0x81: {  	_ =	shalt  }
0x82: {  	_ =	shalt  }
0x83: {  	_ =	shalt  }
0x84: {  	_ =	shalt  }
0x85: {  	_ =	shalt  }
0x86: {  	_ =	shalt  }
0x87: {  	_ =	shalt  }
.Lfunc_end0:
.L_simem_size_0:
called_computation_lowered:
.L_overlay_start_0:
0x88: {  	s0 =	sld [smem:$0x3FD9]  }
0x89: {  	s1 =	sld [smem:$0x3FFE];
	_ =	sdelay $0x3  }
0x8a: {  	s0 =	sadd.s32 s1, s0  }
0x8b: {  	[smem:$0x3FB8] =	sst s0  }
0x8c: {  	_ = 	snop  }
0x8d: {  	s0 =	sld [smem:$0x3FC6];
	(tm) =	ssettm $0x1  }
0x8e: {  	s16 =	sld [smem:$0x3FFB];
	_ =	sdelay $0x3  }
0x8f: {  	_ =	strace s16  }
0x90: {  	s1 =	sld [smem:$0x3FFC];
	_ =	sdelay $0x3  }
0x91: {  	_ =	strace s1  }
0x92: {  	s1 =	sld [smem:$0x3FFD];
	_ =	sdelay $0x3  }
0x93: {  	_ =	strace s1  }
0x94: {  	_ =	strace $0x8FFFFFFF  }
0x95: {  	s17 =	sld [smem:$0x3FDB];
	_ =	sdelay $0x1  }
0x96: {  	s2 =	simm.s32 $_scs_section_size  }
0x97: {  	s3 =	simm.s32 $_size__tile_overlayer_lowered;
	s4 =	simm.s32 $_tile_overlayer_lowered  }
0x98: {  	s20 =	simm.s32 $0x1BFF;
	s19 =	sshll.u32 s4, $0x1;
	s1 =	sadd.s32 s2, s17  }
0x99: {  	s5 =	simm.s32 $0x0;
	s18 =	sshll.u32 s3, $0x1;
	s3 =	sadd.s32 s19, s1  }
0x9a: {  	[timem:s5], [sflag:s20] =	dma.local [hbm:s3], s18  }
0x9b: {  	_ =	swait.ge [sflag:s20], s18  }
0x9c: {  	s2 =	ssub.s32 $0x0, s18;
	[sflag:s20] =	ssyncset.done $0x0  }
0x9d: {  	[sflag:s20] =	ssyncadd.s32 s2;
	_ =	sdelay $0x1  }
0x9e: {  	s21 =	simm.s32 $0x1B8B  }
0x9f: {  	_ =	swait.ge [sflag:s21], $0x1  }
0xa0: {  	[sflag:s21] =	ssyncset.done $0x0  }
0xa1: {  	s23 =	simm.s32 $0x1B8E;
	s22 =	sld [smem:$0x3FFE];
	[sflag:s21] =	ssyncadd.s32 $0xFFFFFFFF  }
0xa2: {  	s24 =	simm.s32 $execute0_lowered;
	[smem:$0x3FD2] =	sst s23  }
0xa3: {  	s3 =	sshll.u32 s24, $0x1;
	_ =	strace $0x80000046;
	[dreg:$0x1] =	wrdreg $0xFFFFFFFF  }
0xa4: {  	s25 =	simm.s32 $_size_execute0_lowered;
	s1 =	sadd.s32 s1, s3;
	[dreg:$0x0] =	wrdreg $0x0  }
0xa5: {  	s3 =	sshll.u32 s25, $0x1;
	[dreg:$0x2] =	wrdreg s1  }
0xa6: {  	[dreg:$0x3] =	wrdreg s3  }
0xa7: {  	[dreg:$0x4] =	wrdreg $0xC0  }
0xa8: {  	_ =	task [dreg:s5], $0x5FFFF  }
0xa9: {  	[dreg:$0x1] =	wrdreg $0xFFFFFFFF  }
0xaa: {  	[dreg:$0x0] =	wrdreg $0x60  }
0xab: {  	[dreg:$0x2] =	wrdreg s22  }
0xac: {  	[dreg:$0x3] =	wrdreg s0  }
0xad: {  	[dreg:$0x4] =	wrdreg $0x9  }
0xae: {  	_ =	task.clear_ibuf [dreg:s5], $0x5FFFF;
	_ =	strace $0x90000046  }
0xaf: {  	s26 =	simm.s32 $0x9;
	_ =	strace $0x80000048  }
0xb0: {  	_ =	swait.ge [sflag:s26], $0x1  }
0xb1: {  	[sflag:s26] =	ssyncadd.s32 $0xFFFFFFFF  }
0xb2: {  	_ =	strace $0x90000048  }
0xb3: {  	_ =	sfence  }
0xb4: {  	s28 =	sld [smem:$0x0];
	_ =	sdelay $0x1  }
0xb5: {  	s29 =	srdreg.scid  }
0xb6: {  	s30 =	sshll.u32 s29, $0xD;
	s31 =	sshrl.u32 s29, $0x2  }
0xb7: {  	s2 =	sand.u32 $0x4000, s30;
	s1 =	sand.u32 $0x1, s29;
	s0 =	sadd.s32 s31, s28  }
0xb8: {  	s1 =	sor.u32 s2, s1;
	s0 =	sshll.u32 s0, $0x11  }
0xb9: {  	s0 =	sor.u32 s0, s1  }
0xba: {  	s0 =	sadd.s32 $0x8F2B, s0  }
0xbb: {  	[sflag:s0] =	ssyncadd.remote.s32 $0x1  }
0xbc: {  	_ =	sfence.sel $0xFFFF  }
0xbd: {  	[dreg:$0x0] =	wrdreg $0xFFFFFFFF;
	(pc) =	sbr.abs _section_cstart, $3  }
0xbe: {  	[dreg:$0x1] =	wrdreg $0xFFFFFFFF  }
0xbf: {  	_ =	task.clear_ibuf [dreg:s5], $0x2FFFF;
	_ =	strace $0x9FFFFFFF  }
0xc0: {  	(tm) =	ssettm $0x7FFFFFFF  }
0xc1: {  	_ =	shalt  }
tec
execute0_lowered:
.L_overlay_start_1:
0x0: {  	(tag) =	ssettag $0x1  }
0x1: {  	s0 =	rddreg [dreg:$0x0]  }
0x2: {  	s1 =	rddreg [dreg:$0x1]  }
0x3: {  	s2 =	rddreg [dreg:$0x2];
	s3 =	simm.s32 $0x0;
	s4 =	stileid.u32  }
0x4: {  	[smem:$0x7FF] =	sst s3;
	s3 =	sadd.s32 $0x1C00, s0;
	p0 =	sgt.u32 s4, $0x7  }
0x5: {  	_ =	strace $0x80000047;
	s3 =	sadd.s32 @!p0 $0x10, s3;
	s5 =	simm.s32 @!p0 $0x0  }
0x6: {  	[tilespmem:s5], [sflag:$0x2] =	stream.linear.gather @!p0 [hbm4b:s3+s5], $0x40, $0x38;
	[tilespmem:$0x480] =	vst v63  }
0x7: {  	s3 =	simm.s32 @!p0 $0x2  }
0x8: {  	_ =	swait.ge @!p0 [sflag:s3], $0x40  }
0x9: {  	s6 =	sshll.u32 @!p0 s4, $0x3;
	[sflag:s3] =	ssyncset.done @!p0 $0x0  }
0xa: {  	s7 =	simm.s32 @!p0 $0x8;
	s8 =	simm.s32 @!p0 $0x80;
	[sflag:s3] =	ssyncadd.s32 @!p0 $0xFFFFFFC0  }
0xb: {  	[tilespmem:s8], [sflag:$0x1] =	stream.indirect.gather @!p0 [hbm4b:s1+s7], $0x80, s6, s7, $0xb8;
	[tilespmem:$0x480] =	vst v63  }
0xc: {  	s1 =	simm.s32 @!p0 $0x1  }
0xd: {  	_ =	swait.ge @!p0 [sflag:s1], $0x400  }
0xe: {  	s0 =	sadd.s32 $0x1E00, s0;
	s6 =	sshll.u32 @!p0 s4, $0x7;
	[sflag:s1] =	ssyncset.done @!p0 $0x0  }
0xf: {  	s0 =	sadd.s32 @!p0 s0, s6;
	[sflag:s1] =	ssyncadd.s32 @!p0 $0xFFFFFC00  }
0x10: {  	[hbm4b:s0+s5] =	stream.linear.scatter @!p0 [tilespmem:s8], [sflag:$0x2], $0x400, $0x38;
	[tilespmem:$0x480] =	vst v63  }
0x11: {  	_ =	swait.ge @!p0 [sflag:s3], $0x400  }
0x12: {  	[sflag:s3] =	ssyncset.done @!p0 $0x0  }
0x13: {  	[sflag:s3] =	ssyncadd.s32 @!p0 $0xFFFFFC00  }
0x14: {  	_ =	sfence.sel $0x180000  }
0x15: {  	[bflag:$0x0] =	sbarrier.arrive $0xFFFF  }
0x16: {  	p0 =	sne.s32 s4, $0x0;
	_ =	strace $0x90000047  }
0x17: {  	s0 =	sadd.s32 @!p0 $0x100000, s2;
	[bflag:$0x2] =	sbarrier.arrive $0xFFFF  }
0x18: {  	[sflag:s0] =	ssyncadd.tile.s32 @!p0 $0x1;
	_ =	shalt  }
.Lfunc_end2:
_tile_overlayer_lowered:
.L_overlay_start_2:
0x19: {  	(tag) =	ssettag $0x2  }
0x1a: {  	s0 =	rddreg [dreg:$0x0];
	s2 =	stileid.u32  }
0x1b: {  	s1 =	rddreg [dreg:$0x1];
	p0 =	sne.s32 s2, $0x0  }
0x1c: {  	s3 =	rddreg [dreg:$0x2];
	[bflag:$0x3] =	sbarrier.arrive $0xFFFF;
	s2 =	simm.s32 @!p0 $0x1C02  }
0x1d: {  	[timem:s3], [sflag:s2] =	dma.local @!p0 [hbm:s0], s1  }
0x1e: {  	s0 =	simm.s32 @!p0 $0x2  }
0x1f: {  	_ =	swait.ge @!p0 [sflag:s0], s1  }
0x20: {  	s1 =	ssub.s32 @!p0 $0x0, s1;
	[sflag:s0] =	ssyncset.done @!p0 $0x0  }
0x21: {  	[sflag:s0] =	ssyncadd.s32 @!p0 s1  }
0x22: {  	[bflag:$0x3] =	sbarrier.arrive $0xFFFF  }
0x23: {  	_ =	shalt  }

</sc_bundles>
